<compile_context>
chip_gen: v7x
topology: tpu7x:2x2x1
jax: 0.10.2.dev20260603
libtpu: 0.0.44.dev20260713+nightly
codegen_flags: <defaults>
</compile_context>

<pallas_src>
import functools

import jax
import jax.numpy as jnp
from jax import lax
from jax.experimental import pallas as pl
from jax.experimental.pallas import tpu as pltpu
from jax.experimental.pallas import tpu_sc as plsc

D_BIAS = 64
BATCH = 16384
IDX_CHUNK = 128


@functools.lru_cache(maxsize=None)
def _build(batch, d):
    info = plsc.get_sparse_core_info()
    nw = info.num_cores * info.num_subcores
    b_per_w = batch // nw
    n_chunks = b_per_w // IDX_CHUNK
    mesh = plsc.VectorSubcoreMesh(core_axis_name="c", subcore_axis_name="s")

    @functools.partial(
        pl.kernel,
        mesh=mesh,
        out_type=jax.ShapeDtypeStruct((batch, d), jnp.float32),
        compiler_params=pltpu.CompilerParams(use_tc_tiling_on_sc=False),
        scratch_types=[
            pltpu.VMEM((b_per_w,), jnp.int32),
            pltpu.VMEM((b_per_w,), jnp.int32),
            pltpu.VMEM((b_per_w, 2 * d), jnp.float32),
            pltpu.SemaphoreType.DMA,
        ],
    )
    def gather(idx_hbm, tbl_hbm, out_hbm, idx_v, grp_v, pairs_v, sem):
        wid = lax.axis_index("s") * info.num_cores + lax.axis_index("c")
        base = wid * b_per_w
        pltpu.sync_copy(idx_hbm.at[pl.ds(base, b_per_w)], idx_v)
        for v in range(b_per_w // 16):
            grp_v[pl.ds(v * 16, 16)] = idx_v[pl.ds(v * 16, 16)] >> 1
        copies = []
        for i in range(n_chunks):
            copies.append(
                pltpu.async_copy(
                    tbl_hbm.at[grp_v.at[pl.ds(i * IDX_CHUNK, IDX_CHUNK)]],
                    pairs_v.at[pl.ds(i * IDX_CHUNK, IDX_CHUNK)],
                    sem,
                )
            )
        for c in copies:
            c.wait()
        pltpu.sync_copy(
            pairs_v.at[:, pl.ds(0, d)], out_hbm.at[pl.ds(base, b_per_w)]
        )

    return gather


def kernel(user_id, mu_embed, log_var_embed):
    del log_var_embed
    n, d = mu_embed.shape
    tbl = mu_embed.reshape(n // 2, 2 * d)
    return _build(BATCH, D_BIAS)(user_id.astype(jnp.int32), tbl)

# --- scband reference (transcript-rebuilt; emitter-appended) ---
"""Pipeline reference for scband-variational-user-bias-60464549593850 (READ-ONLY COPY).

The authoritative reference and input builder live on the scoring server;
editing this copy changes nothing except your own understanding.
"""

import jax, jax.numpy as jnp
import numpy as np

N_USERS = 1000000
D_BIAS = 64
BATCH = 16384

def setup_inputs(seed: int = 0) -> dict:
    key = jax.random.key(seed)
    k1, k2 = jax.random.split(key)
    user_id = jax.random.randint(k1, (BATCH,), 0, N_USERS, dtype=jnp.int64 if jax.config.jax_enable_x64 else jnp.int32)
    mu_embed = jax.random.normal(k2, (N_USERS, D_BIAS), dtype=jnp.float32) * 0.02
    log_var_embed = jnp.full((N_USERS, D_BIAS), -2.0, dtype=jnp.float32)
    return {"user_id": user_id, "mu_embed": mu_embed, "log_var_embed": log_var_embed}

def reference(user_id, mu_embed, log_var_embed):
    # Eval-mode forward: z = mu (deterministic mean). get_distribution gathers
    # both tables; forward returns mu in eval mode.
    mu = jnp.take(mu_embed, user_id, axis=0)
    log_var = jnp.take(log_var_embed, user_id, axis=0)
    del log_var  # unused in eval-mode forward output
    return mu

if __name__ == "__main__":
    import jax
    _d = setup_inputs()
    print(jax.jit(kernel)(*tuple(_d.values())))

</pallas_src>

<mosaic_0001>
#map = affine_map<(d0, d1) -> (0)>
#map1 = affine_map<(d0, d1) -> (0, 0)>
module attributes {stable_mosaic.version = 14 : i64} {
  func.func @gather(%arg0: i32, %arg1: i32, %arg2: memref<16384xi32, #tpu.memory_space<hbm>>, %arg3: memref<500000x128xf32, #tpu.memory_space<hbm>>, %arg4: memref<16384x64xf32, #tpu.memory_space<hbm>>, %arg5: memref<512xi32, #tpu.memory_space<vmem>>, %arg6: memref<512xi32, #tpu.memory_space<vmem>>, %arg7: memref<512x128xf32, #tpu.memory_space<vmem>>, %arg8: memref<!tpu.dma_semaphore, #tpu.memory_space<semaphore_mem>>) attributes {dimension_semantics = [#tpu.dimension_semantics<core_parallel>, #tpu.dimension_semantics<subcore_parallel>], iteration_bounds = array<i64: 2, 16>, scalar_prefetch = 0 : i64, scratch_operands = 4 : i64, tpu.core_type = #tpu.core_type<sc_vector_subcore>, window_params = [{transform_indices = #map}, {transform_indices = #map1}, {transform_indices = #map1}]} {
    %mul3A = arith.constant 2 : i32
    %mul3A_0 = arith.muli %arg1, %mul3A : i32
    %add3A = arith.addi %mul3A_0, %arg0 : i32
    %mul3A_1 = arith.constant 512 : i32
    %mul3A_2 = arith.muli %add3A, %mul3A_1 : i32
    "tpu.region"() ({
      %run_scoped3A = tpu.sem_alloc : memref<!tpu.dma_semaphore, #tpu.memory_space<semaphore_mem>>
      %dma_start3A_382 = tpu.memref_slice %arg2[%mul3A_2] : memref<16384xi32, #tpu.memory_space<hbm>> -> memref<512xi32, #tpu.memory_space<hbm>>
      %dma_start3A_383 = tpu.memref_slice %arg2[%mul3A_2] : memref<16384xi32, #tpu.memory_space<hbm>> -> memref<512xi32, #tpu.memory_space<hbm>>
      tpu.enqueue_dma source(%dma_start3A_383 : memref<512xi32, #tpu.memory_space<hbm>>) target(%arg5 : memref<512xi32, #tpu.memory_space<vmem>>) target_semaphore(%run_scoped3A : memref<!tpu.dma_semaphore, #tpu.memory_space<semaphore_mem>>)
      %dma_wait3A_384 = tpu.memref_slice %arg2[%mul3A_2] : memref<16384xi32, #tpu.memory_space<hbm>> -> memref<512xi32, #tpu.memory_space<hbm>>
      %dma_wait3A_385 = tpu.memref_slice %arg2[%mul3A_2] : memref<16384xi32, #tpu.memory_space<hbm>> -> memref<512xi32, #tpu.memory_space<hbm>>
      tpu.wait_dma2 semaphore(%run_scoped3A : memref<!tpu.dma_semaphore, #tpu.memory_space<semaphore_mem>>) src(%dma_wait3A_385 : memref<512xi32, #tpu.memory_space<hbm>>) dst(%arg5 : memref<512xi32, #tpu.memory_space<vmem>>)
      tpu.yield
    }) : () -> ()
    %get3A = arith.constant 0 : index
    %get3A_3 = tpu.vector_load %arg5[%get3A] {strides = array<i32>} : memref<512xi32, #tpu.memory_space<vmem>>, vector<16xi32>,
    %get3A_4 = vector.shape_cast %get3A_3 : vector<16xi32> to vector<16xi32>
    %shift_right_arithmetic3A = arith.constant 1 : i32
    %shift_right_arithmetic3A_5 = vector.broadcast %shift_right_arithmetic3A : i32 to vector<16xi32>
    %shift_right_arithmetic3A_6 = arith.shrsi %get3A_4, %shift_right_arithmetic3A_5 : vector<16xi32>
    %swap3A = arith.constant 0 : index
    %swap3A_7 = tpu.vector_load %arg6[%swap3A] {strides = array<i32>} : memref<512xi32, #tpu.memory_space<vmem>>, vector<16xi32>,
    %swap3A_8 = vector.shape_cast %swap3A_7 : vector<16xi32> to vector<16xi32>
    %swap3A_9 = vector.shape_cast %shift_right_arithmetic3A_6 : vector<16xi32> to vector<16xi32>
    tpu.vector_store %arg6[%swap3A], %swap3A_9 {strides = array<i32>} : memref<512xi32, #tpu.memory_space<vmem>>, vector<16xi32>,
    %get3A_10 = arith.constant 16 : index
    %get3A_11 = tpu.vector_load %arg5[%get3A_10] {strides = array<i32>} : memref<512xi32, #tpu.memory_space<vmem>>, vector<16xi32>,
    %get3A_12 = vector.shape_cast %get3A_11 : vector<16xi32> to vector<16xi32>
    %shift_right_arithmetic3A_13 = arith.constant 1 : i32
    %shift_right_arithmetic3A_14 = vector.broadcast %shift_right_arithmetic3A_13 : i32 to vector<16xi32>
    %shift_right_arithmetic3A_15 = arith.shrsi %get3A_12, %shift_right_arithmetic3A_14 : vector<16xi32>
    %swap3A_16 = arith.constant 16 : index
    %swap3A_17 = tpu.vector_load %arg6[%swap3A_16] {strides = array<i32>} : memref<512xi32, #tpu.memory_space<vmem>>, vector<16xi32>,
    %swap3A_18 = vector.shape_cast %swap3A_17 : vector<16xi32> to vector<16xi32>
    %swap3A_19 = vector.shape_cast %shift_right_arithmetic3A_15 : vector<16xi32> to vector<16xi32>
    tpu.vector_store %arg6[%swap3A_16], %swap3A_19 {strides = array<i32>} : memref<512xi32, #tpu.memory_space<vmem>>, vector<16xi32>,
    %get3A_20 = arith.constant 32 : index
    %get3A_21 = tpu.vector_load %arg5[%get3A_20] {strides = array<i32>} : memref<512xi32, #tpu.memory_space<vmem>>, vector<16xi32>,
    %get3A_22 = vector.shape_cast %get3A_21 : vector<16xi32> to vector<16xi32>
    %shift_right_arithmetic3A_23 = arith.constant 1 : i32
    %shift_right_arithmetic3A_24 = vector.broadcast %shift_right_arithmetic3A_23 : i32 to vector<16xi32>
    %shift_right_arithmetic3A_25 = arith.shrsi %get3A_22, %shift_right_arithmetic3A_24 : vector<16xi32>
    %swap3A_26 = arith.constant 32 : index
    %swap3A_27 = tpu.vector_load %arg6[%swap3A_26] {strides = array<i32>} : memref<512xi32, #tpu.memory_space<vmem>>, vector<16xi32>,
    %swap3A_28 = vector.shape_cast %swap3A_27 : vector<16xi32> to vector<16xi32>
    %swap3A_29 = vector.shape_cast %shift_right_arithmetic3A_25 : vector<16xi32> to vector<16xi32>
    tpu.vector_store %arg6[%swap3A_26], %swap3A_29 {strides = array<i32>} : memref<512xi32, #tpu.memory_space<vmem>>, vector<16xi32>,
    %get3A_30 = arith.constant 48 : index
    %get3A_31 = tpu.vector_load %arg5[%get3A_30] {strides = array<i32>} : memref<512xi32, #tpu.memory_space<vmem>>, vector<16xi32>,
    %get3A_32 = vector.shape_cast %get3A_31 : vector<16xi32> to vector<16xi32>
    %shift_right_arithmetic3A_33 = arith.constant 1 : i32
    %shift_right_arithmetic3A_34 = vector.broadcast %shift_right_arithmetic3A_33 : i32 to vector<16xi32>
    %shift_right_arithmetic3A_35 = arith.shrsi %get3A_32, %shift_right_arithmetic3A_34 : vector<16xi32>
    %swap3A_36 = arith.constant 48 : index
    %swap3A_37 = tpu.vector_load %arg6[%swap3A_36] {strides = array<i32>} : memref<512xi32, #tpu.memory_space<vmem>>, vector<16xi32>,
    %swap3A_38 = vector.shape_cast %swap3A_37 : vector<16xi32> to vector<16xi32>
    %swap3A_39 = vector.shape_cast %shift_right_arithmetic3A_35 : vector<16xi32> to vector<16xi32>
    tpu.vector_store %arg6[%swap3A_36], %swap3A_39 {strides = array<i32>} : memref<512xi32, #tpu.memory_space<vmem>>, vector<16xi32>,
    %get3A_40 = arith.constant 64 : index
    %get3A_41 = tpu.vector_load %arg5[%get3A_40] {strides = array<i32>} : memref<512xi32, #tpu.memory_space<vmem>>, vector<16xi32>,
    %get3A_42 = vector.shape_cast %get3A_41 : vector<16xi32> to vector<16xi32>
    %shift_right_arithmetic3A_43 = arith.constant 1 : i32
    %shift_right_arithmetic3A_44 = vector.broadcast %shift_right_arithmetic3A_43 : i32 to vector<16xi32>
    %shift_right_arithmetic3A_45 = arith.shrsi %get3A_42, %shift_right_arithmetic3A_44 : vector<16xi32>
    %swap3A_46 = arith.constant 64 : index
    %swap3A_47 = tpu.vector_load %arg6[%swap3A_46] {strides = array<i32>} : memref<512xi32, #tpu.memory_space<vmem>>, vector<16xi32>,
    %swap3A_48 = vector.shape_cast %swap3A_47 : vector<16xi32> to vector<16xi32>
    %swap3A_49 = vector.shape_cast %shift_right_arithmetic3A_45 : vector<16xi32> to vector<16xi32>
    tpu.vector_store %arg6[%swap3A_46], %swap3A_49 {strides = array<i32>} : memref<512xi32, #tpu.memory_space<vmem>>, vector<16xi32>,
    %get3A_50 = arith.constant 80 : index
    %get3A_51 = tpu.vector_load %arg5[%get3A_50] {strides = array<i32>} : memref<512xi32, #tpu.memory_space<vmem>>, vector<16xi32>,
    %get3A_52 = vector.shape_cast %get3A_51 : vector<16xi32> to vector<16xi32>
    %shift_right_arithmetic3A_53 = arith.constant 1 : i32
    %shift_right_arithmetic3A_54 = vector.broadcast %shift_right_arithmetic3A_53 : i32 to vector<16xi32>
    %shift_right_arithmetic3A_55 = arith.shrsi %get3A_52, %shift_right_arithmetic3A_54 : vector<16xi32>
    %swap3A_56 = arith.constant 80 : index
    %swap3A_57 = tpu.vector_load %arg6[%swap3A_56] {strides = array<i32>} : memref<512xi32, #tpu.memory_space<vmem>>, vector<16xi32>,
    %swap3A_58 = vector.shape_cast %swap3A_57 : vector<16xi32> to vector<16xi32>
    %swap3A_59 = vector.shape_cast %shift_right_arithmetic3A_55 : vector<16xi32> to vector<16xi32>
    tpu.vector_store %arg6[%swap3A_56], %swap3A_59 {strides = array<i32>} : memref<512xi32, #tpu.memory_space<vmem>>, vector<16xi32>,
    %get3A_60 = arith.constant 96 : index
    %get3A_61 = tpu.vector_load %arg5[%get3A_60] {strides = array<i32>} : memref<512xi32, #tpu.memory_space<vmem>>, vector<16xi32>,
    %get3A_62 = vector.shape_cast %get3A_61 : vector<16xi32> to vector<16xi32>
    %shift_right_arithmetic3A_63 = arith.constant 1 : i32
    %shift_right_arithmetic3A_64 = vector.broadcast %shift_right_arithmetic3A_63 : i32 to vector<16xi32>
    %shift_right_arithmetic3A_65 = arith.shrsi %get3A_62, %shift_right_arithmetic3A_64 : vector<16xi32>
    %swap3A_66 = arith.constant 96 : index
    %swap3A_67 = tpu.vector_load %arg6[%swap3A_66] {strides = array<i32>} : memref<512xi32, #tpu.memory_space<vmem>>, vector<16xi32>,
    %swap3A_68 = vector.shape_cast %swap3A_67 : vector<16xi32> to vector<16xi32>
    %swap3A_69 = vector.shape_cast %shift_right_arithmetic3A_65 : vector<16xi32> to vector<16xi32>
    tpu.vector_store %arg6[%swap3A_66], %swap3A_69 {strides = array<i32>} : memref<512xi32, #tpu.memory_space<vmem>>, vector<16xi32>,
    %get3A_70 = arith.constant 112 : index
    %get3A_71 = tpu.vector_load %arg5[%get3A_70] {strides = array<i32>} : memref<512xi32, #tpu.memory_space<vmem>>, vector<16xi32>,
    %get3A_72 = vector.shape_cast %get3A_71 : vector<16xi32> to vector<16xi32>
    %shift_right_arithmetic3A_73 = arith.constant 1 : i32
    %shift_right_arithmetic3A_74 = vector.broadcast %shift_right_arithmetic3A_73 : i32 to vector<16xi32>
    %shift_right_arithmetic3A_75 = arith.shrsi %get3A_72, %shift_right_arithmetic3A_74 : vector<16xi32>
    %swap3A_76 = arith.constant 112 : index
    %swap3A_77 = tpu.vector_load %arg6[%swap3A_76] {strides = array<i32>} : memref<512xi32, #tpu.memory_space<vmem>>, vector<16xi32>,
    %swap3A_78 = vector.shape_cast %swap3A_77 : vector<16xi32> to vector<16xi32>
    %swap3A_79 = vector.shape_cast %shift_right_arithmetic3A_75 : vector<16xi32> to vector<16xi32>
    tpu.vector_store %arg6[%swap3A_76], %swap3A_79 {strides = array<i32>} : memref<512xi32, #tpu.memory_space<vmem>>, vector<16xi32>,
    %get3A_80 = arith.constant 128 : index
    %get3A_81 = tpu.vector_load %arg5[%get3A_80] {strides = array<i32>} : memref<512xi32, #tpu.memory_space<vmem>>, vector<16xi32>,
    %get3A_82 = vector.shape_cast %get3A_81 : vector<16xi32> to vector<16xi32>
    %shift_right_arithmetic3A_83 = arith.constant 1 : i32
    %shift_right_arithmetic3A_84 = vector.broadcast %shift_right_arithmetic3A_83 : i32 to vector<16xi32>
    %shift_right_arithmetic3A_85 = arith.shrsi %get3A_82, %shift_right_arithmetic3A_84 : vector<16xi32>
    %swap3A_86 = arith.constant 128 : index
    %swap3A_87 = tpu.vector_load %arg6[%swap3A_86] {strides = array<i32>} : memref<512xi32, #tpu.memory_space<vmem>>, vector<16xi32>,
    %swap3A_88 = vector.shape_cast %swap3A_87 : vector<16xi32> to vector<16xi32>
    %swap3A_89 = vector.shape_cast %shift_right_arithmetic3A_85 : vector<16xi32> to vector<16xi32>
    tpu.vector_store %arg6[%swap3A_86], %swap3A_89 {strides = array<i32>} : memref<512xi32, #tpu.memory_space<vmem>>, vector<16xi32>,
    %get3A_90 = arith.constant 144 : index
    %get3A_91 = tpu.vector_load %arg5[%get3A_90] {strides = array<i32>} : memref<512xi32, #tpu.memory_space<vmem>>, vector<16xi32>,
    %get3A_92 = vector.shape_cast %get3A_91 : vector<16xi32> to vector<16xi32>
    %shift_right_arithmetic3A_93 = arith.constant 1 : i32
    %shift_right_arithmetic3A_94 = vector.broadcast %shift_right_arithmetic3A_93 : i32 to vector<16xi32>
    %shift_right_arithmetic3A_95 = arith.shrsi %get3A_92, %shift_right_arithmetic3A_94 : vector<16xi32>
    %swap3A_96 = arith.constant 144 : index
    %swap3A_97 = tpu.vector_load %arg6[%swap3A_96] {strides = array<i32>} : memref<512xi32, #tpu.memory_space<vmem>>, vector<16xi32>,
    %swap3A_98 = vector.shape_cast %swap3A_97 : vector<16xi32> to vector<16xi32>
    %swap3A_99 = vector.shape_cast %shift_right_arithmetic3A_95 : vector<16xi32> to vector<16xi32>
    tpu.vector_store %arg6[%swap3A_96], %swap3A_99 {strides = array<i32>} : memref<512xi32, #tpu.memory_space<vmem>>, vector<16xi32>,
    %get3A_100 = arith.constant 160 : index
    %get3A_101 = tpu.vector_load %arg5[%get3A_100] {strides = array<i32>} : memref<512xi32, #tpu.memory_space<vmem>>, vector<16xi32>,
    %get3A_102 = vector.shape_cast %get3A_101 : vector<16xi32> to vector<16xi32>
    %shift_right_arithmetic3A_103 = arith.constant 1 : i32
    %shift_right_arithmetic3A_104 = vector.broadcast %shift_right_arithmetic3A_103 : i32 to vector<16xi32>
    %shift_right_arithmetic3A_105 = arith.shrsi %get3A_102, %shift_right_arithmetic3A_104 : vector<16xi32>
    %swap3A_106 = arith.constant 160 : index
    %swap3A_107 = tpu.vector_load %arg6[%swap3A_106] {strides = array<i32>} : memref<512xi32, #tpu.memory_space<vmem>>, vector<16xi32>,
    %swap3A_108 = vector.shape_cast %swap3A_107 : vector<16xi32> to vector<16xi32>
    %swap3A_109 = vector.shape_cast %shift_right_arithmetic3A_105 : vector<16xi32> to vector<16xi32>
    tpu.vector_store %arg6[%swap3A_106], %swap3A_109 {strides = array<i32>} : memref<512xi32, #tpu.memory_space<vmem>>, vector<16xi32>,
    %get3A_110 = arith.constant 176 : index
    %get3A_111 = tpu.vector_load %arg5[%get3A_110] {strides = array<i32>} : memref<512xi32, #tpu.memory_space<vmem>>, vector<16xi32>,
    %get3A_112 = vector.shape_cast %get3A_111 : vector<16xi32> to vector<16xi32>
    %shift_right_arithmetic3A_113 = arith.constant 1 : i32
    %shift_right_arithmetic3A_114 = vector.broadcast %shift_right_arithmetic3A_113 : i32 to vector<16xi32>
    %shift_right_arithmetic3A_115 = arith.shrsi %get3A_112, %shift_right_arithmetic3A_114 : vector<16xi32>
    %swap3A_116 = arith.constant 176 : index
    %swap3A_117 = tpu.vector_load %arg6[%swap3A_116] {strides = array<i32>} : memref<512xi32, #tpu.memory_space<vmem>>, vector<16xi32>,
    %swap3A_118 = vector.shape_cast %swap3A_117 : vector<16xi32> to vector<16xi32>
    %swap3A_119 = vector.shape_cast %shift_right_arithmetic3A_115 : vector<16xi32> to vector<16xi32>
    tpu.vector_store %arg6[%swap3A_116], %swap3A_119 {strides = array<i32>} : memref<512xi32, #tpu.memory_space<vmem>>, vector<16xi32>,
    %get3A_120 = arith.constant 192 : index
    %get3A_121 = tpu.vector_load %arg5[%get3A_120] {strides = array<i32>} : memref<512xi32, #tpu.memory_space<vmem>>, vector<16xi32>,
    %get3A_122 = vector.shape_cast %get3A_121 : vector<16xi32> to vector<16xi32>
    %shift_right_arithmetic3A_123 = arith.constant 1 : i32
    %shift_right_arithmetic3A_124 = vector.broadcast %shift_right_arithmetic3A_123 : i32 to vector<16xi32>
    %shift_right_arithmetic3A_125 = arith.shrsi %get3A_122, %shift_right_arithmetic3A_124 : vector<16xi32>
    %swap3A_126 = arith.constant 192 : index
    %swap3A_127 = tpu.vector_load %arg6[%swap3A_126] {strides = array<i32>} : memref<512xi32, #tpu.memory_space<vmem>>, vector<16xi32>,
    %swap3A_128 = vector.shape_cast %swap3A_127 : vector<16xi32> to vector<16xi32>
    %swap3A_129 = vector.shape_cast %shift_right_arithmetic3A_125 : vector<16xi32> to vector<16xi32>
    tpu.vector_store %arg6[%swap3A_126], %swap3A_129 {strides = array<i32>} : memref<512xi32, #tpu.memory_space<vmem>>, vector<16xi32>,
    %get3A_130 = arith.constant 208 : index
    %get3A_131 = tpu.vector_load %arg5[%get3A_130] {strides = array<i32>} : memref<512xi32, #tpu.memory_space<vmem>>, vector<16xi32>,
    %get3A_132 = vector.shape_cast %get3A_131 : vector<16xi32> to vector<16xi32>
    %shift_right_arithmetic3A_133 = arith.constant 1 : i32
    %shift_right_arithmetic3A_134 = vector.broadcast %shift_right_arithmetic3A_133 : i32 to vector<16xi32>
    %shift_right_arithmetic3A_135 = arith.shrsi %get3A_132, %shift_right_arithmetic3A_134 : vector<16xi32>
    %swap3A_136 = arith.constant 208 : index
    %swap3A_137 = tpu.vector_load %arg6[%swap3A_136] {strides = array<i32>} : memref<512xi32, #tpu.memory_space<vmem>>, vector<16xi32>,
    %swap3A_138 = vector.shape_cast %swap3A_137 : vector<16xi32> to vector<16xi32>
    %swap3A_139 = vector.shape_cast %shift_right_arithmetic3A_135 : vector<16xi32> to vector<16xi32>
    tpu.vector_store %arg6[%swap3A_136], %swap3A_139 {strides = array<i32>} : memref<512xi32, #tpu.memory_space<vmem>>, vector<16xi32>,
    %get3A_140 = arith.constant 224 : index
    %get3A_141 = tpu.vector_load %arg5[%get3A_140] {strides = array<i32>} : memref<512xi32, #tpu.memory_space<vmem>>, vector<16xi32>,
    %get3A_142 = vector.shape_cast %get3A_141 : vector<16xi32> to vector<16xi32>
    %shift_right_arithmetic3A_143 = arith.constant 1 : i32
    %shift_right_arithmetic3A_144 = vector.broadcast %shift_right_arithmetic3A_143 : i32 to vector<16xi32>
    %shift_right_arithmetic3A_145 = arith.shrsi %get3A_142, %shift_right_arithmetic3A_144 : vector<16xi32>
    %swap3A_146 = arith.constant 224 : index
    %swap3A_147 = tpu.vector_load %arg6[%swap3A_146] {strides = array<i32>} : memref<512xi32, #tpu.memory_space<vmem>>, vector<16xi32>,
    %swap3A_148 = vector.shape_cast %swap3A_147 : vector<16xi32> to vector<16xi32>
    %swap3A_149 = vector.shape_cast %shift_right_arithmetic3A_145 : vector<16xi32> to vector<16xi32>
    tpu.vector_store %arg6[%swap3A_146], %swap3A_149 {strides = array<i32>} : memref<512xi32, #tpu.memory_space<vmem>>, vector<16xi32>,
    %get3A_150 = arith.constant 240 : index
    %get3A_151 = tpu.vector_load %arg5[%get3A_150] {strides = array<i32>} : memref<512xi32, #tpu.memory_space<vmem>>, vector<16xi32>,
    %get3A_152 = vector.shape_cast %get3A_151 : vector<16xi32> to vector<16xi32>
    %shift_right_arithmetic3A_153 = arith.constant 1 : i32
    %shift_right_arithmetic3A_154 = vector.broadcast %shift_right_arithmetic3A_153 : i32 to vector<16xi32>
    %shift_right_arithmetic3A_155 = arith.shrsi %get3A_152, %shift_right_arithmetic3A_154 : vector<16xi32>
    %swap3A_156 = arith.constant 240 : index
    %swap3A_157 = tpu.vector_load %arg6[%swap3A_156] {strides = array<i32>} : memref<512xi32, #tpu.memory_space<vmem>>, vector<16xi32>,
    %swap3A_158 = vector.shape_cast %swap3A_157 : vector<16xi32> to vector<16xi32>
    %swap3A_159 = vector.shape_cast %shift_right_arithmetic3A_155 : vector<16xi32> to vector<16xi32>
    tpu.vector_store %arg6[%swap3A_156], %swap3A_159 {strides = array<i32>} : memref<512xi32, #tpu.memory_space<vmem>>, vector<16xi32>,
    %get3A_160 = arith.constant 256 : index
    %get3A_161 = tpu.vector_load %arg5[%get3A_160] {strides = array<i32>} : memref<512xi32, #tpu.memory_space<vmem>>, vector<16xi32>,
    %get3A_162 = vector.shape_cast %get3A_161 : vector<16xi32> to vector<16xi32>
    %shift_right_arithmetic3A_163 = arith.constant 1 : i32
    %shift_right_arithmetic3A_164 = vector.broadcast %shift_right_arithmetic3A_163 : i32 to vector<16xi32>
    %shift_right_arithmetic3A_165 = arith.shrsi %get3A_162, %shift_right_arithmetic3A_164 : vector<16xi32>
    %swap3A_166 = arith.constant 256 : index
    %swap3A_167 = tpu.vector_load %arg6[%swap3A_166] {strides = array<i32>} : memref<512xi32, #tpu.memory_space<vmem>>, vector<16xi32>,
    %swap3A_168 = vector.shape_cast %swap3A_167 : vector<16xi32> to vector<16xi32>
    %swap3A_169 = vector.shape_cast %shift_right_arithmetic3A_165 : vector<16xi32> to vector<16xi32>
    tpu.vector_store %arg6[%swap3A_166], %swap3A_169 {strides = array<i32>} : memref<512xi32, #tpu.memory_space<vmem>>, vector<16xi32>,
    %get3A_170 = arith.constant 272 : index
    %get3A_171 = tpu.vector_load %arg5[%get3A_170] {strides = array<i32>} : memref<512xi32, #tpu.memory_space<vmem>>, vector<16xi32>,
    %get3A_172 = vector.shape_cast %get3A_171 : vector<16xi32> to vector<16xi32>
    %shift_right_arithmetic3A_173 = arith.constant 1 : i32
    %shift_right_arithmetic3A_174 = vector.broadcast %shift_right_arithmetic3A_173 : i32 to vector<16xi32>
    %shift_right_arithmetic3A_175 = arith.shrsi %get3A_172, %shift_right_arithmetic3A_174 : vector<16xi32>
    %swap3A_176 = arith.constant 272 : index
    %swap3A_177 = tpu.vector_load %arg6[%swap3A_176] {strides = array<i32>} : memref<512xi32, #tpu.memory_space<vmem>>, vector<16xi32>,
    %swap3A_178 = vector.shape_cast %swap3A_177 : vector<16xi32> to vector<16xi32>
    %swap3A_179 = vector.shape_cast %shift_right_arithmetic3A_175 : vector<16xi32> to vector<16xi32>
    tpu.vector_store %arg6[%swap3A_176], %swap3A_179 {strides = array<i32>} : memref<512xi32, #tpu.memory_space<vmem>>, vector<16xi32>,
    %get3A_180 = arith.constant 288 : index
    %get3A_181 = tpu.vector_load %arg5[%get3A_180] {strides = array<i32>} : memref<512xi32, #tpu.memory_space<vmem>>, vector<16xi32>,
    %get3A_182 = vector.shape_cast %get3A_181 : vector<16xi32> to vector<16xi32>
    %shift_right_arithmetic3A_183 = arith.constant 1 : i32
    %shift_right_arithmetic3A_184 = vector.broadcast %shift_right_arithmetic3A_183 : i32 to vector<16xi32>
    %shift_right_arithmetic3A_185 = arith.shrsi %get3A_182, %shift_right_arithmetic3A_184 : vector<16xi32>
    %swap3A_186 = arith.constant 288 : index
    %swap3A_187 = tpu.vector_load %arg6[%swap3A_186] {strides = array<i32>} : memref<512xi32, #tpu.memory_space<vmem>>, vector<16xi32>,
    %swap3A_188 = vector.shape_cast %swap3A_187 : vector<16xi32> to vector<16xi32>
    %swap3A_189 = vector.shape_cast %shift_right_arithmetic3A_185 : vector<16xi32> to vector<16xi32>
    tpu.vector_store %arg6[%swap3A_186], %swap3A_189 {strides = array<i32>} : memref<512xi32, #tpu.memory_space<vmem>>, vector<16xi32>,
    %get3A_190 = arith.constant 304 : index
    %get3A_191 = tpu.vector_load %arg5[%get3A_190] {strides = array<i32>} : memref<512xi32, #tpu.memory_space<vmem>>, vector<16xi32>,
    %get3A_192 = vector.shape_cast %get3A_191 : vector<16xi32> to vector<16xi32>
    %shift_right_arithmetic3A_193 = arith.constant 1 : i32
    %shift_right_arithmetic3A_194 = vector.broadcast %shift_right_arithmetic3A_193 : i32 to vector<16xi32>
    %shift_right_arithmetic3A_195 = arith.shrsi %get3A_192, %shift_right_arithmetic3A_194 : vector<16xi32>
    %swap3A_196 = arith.constant 304 : index
    %swap3A_197 = tpu.vector_load %arg6[%swap3A_196] {strides = array<i32>} : memref<512xi32, #tpu.memory_space<vmem>>, vector<16xi32>,
    %swap3A_198 = vector.shape_cast %swap3A_197 : vector<16xi32> to vector<16xi32>
    %swap3A_199 = vector.shape_cast %shift_right_arithmetic3A_195 : vector<16xi32> to vector<16xi32>
    tpu.vector_store %arg6[%swap3A_196], %swap3A_199 {strides = array<i32>} : memref<512xi32, #tpu.memory_space<vmem>>, vector<16xi32>,
    %get3A_200 = arith.constant 320 : index
    %get3A_201 = tpu.vector_load %arg5[%get3A_200] {strides = array<i32>} : memref<512xi32, #tpu.memory_space<vmem>>, vector<16xi32>,
    %get3A_202 = vector.shape_cast %get3A_201 : vector<16xi32> to vector<16xi32>
    %shift_right_arithmetic3A_203 = arith.constant 1 : i32
    %shift_right_arithmetic3A_204 = vector.broadcast %shift_right_arithmetic3A_203 : i32 to vector<16xi32>
    %shift_right_arithmetic3A_205 = arith.shrsi %get3A_202, %shift_right_arithmetic3A_204 : vector<16xi32>
    %swap3A_206 = arith.constant 320 : index
    %swap3A_207 = tpu.vector_load %arg6[%swap3A_206] {strides = array<i32>} : memref<512xi32, #tpu.memory_space<vmem>>, vector<16xi32>,
    %swap3A_208 = vector.shape_cast %swap3A_207 : vector<16xi32> to vector<16xi32>
    %swap3A_209 = vector.shape_cast %shift_right_arithmetic3A_205 : vector<16xi32> to vector<16xi32>
    tpu.vector_store %arg6[%swap3A_206], %swap3A_209 {strides = array<i32>} : memref<512xi32, #tpu.memory_space<vmem>>, vector<16xi32>,
    %get3A_210 = arith.constant 336 : index
    %get3A_211 = tpu.vector_load %arg5[%get3A_210] {strides = array<i32>} : memref<512xi32, #tpu.memory_space<vmem>>, vector<16xi32>,
    %get3A_212 = vector.shape_cast %get3A_211 : vector<16xi32> to vector<16xi32>
    %shift_right_arithmetic3A_213 = arith.constant 1 : i32
    %shift_right_arithmetic3A_214 = vector.broadcast %shift_right_arithmetic3A_213 : i32 to vector<16xi32>
    %shift_right_arithmetic3A_215 = arith.shrsi %get3A_212, %shift_right_arithmetic3A_214 : vector<16xi32>
    %swap3A_216 = arith.constant 336 : index
    %swap3A_217 = tpu.vector_load %arg6[%swap3A_216] {strides = array<i32>} : memref<512xi32, #tpu.memory_space<vmem>>, vector<16xi32>,
    %swap3A_218 = vector.shape_cast %swap3A_217 : vector<16xi32> to vector<16xi32>
    %swap3A_219 = vector.shape_cast %shift_right_arithmetic3A_215 : vector<16xi32> to vector<16xi32>
    tpu.vector_store %arg6[%swap3A_216], %swap3A_219 {strides = array<i32>} : memref<512xi32, #tpu.memory_space<vmem>>, vector<16xi32>,
    %get3A_220 = arith.constant 352 : index
    %get3A_221 = tpu.vector_load %arg5[%get3A_220] {strides = array<i32>} : memref<512xi32, #tpu.memory_space<vmem>>, vector<16xi32>,
    %get3A_222 = vector.shape_cast %get3A_221 : vector<16xi32> to vector<16xi32>
    %shift_right_arithmetic3A_223 = arith.constant 1 : i32
    %shift_right_arithmetic3A_224 = vector.broadcast %shift_right_arithmetic3A_223 : i32 to vector<16xi32>
    %shift_right_arithmetic3A_225 = arith.shrsi %get3A_222, %shift_right_arithmetic3A_224 : vector<16xi32>
    %swap3A_226 = arith.constant 352 : index
    %swap3A_227 = tpu.vector_load %arg6[%swap3A_226] {strides = array<i32>} : memref<512xi32, #tpu.memory_space<vmem>>, vector<16xi32>,
    %swap3A_228 = vector.shape_cast %swap3A_227 : vector<16xi32> to vector<16xi32>
    %swap3A_229 = vector.shape_cast %shift_right_arithmetic3A_225 : vector<16xi32> to vector<16xi32>
    tpu.vector_store %arg6[%swap3A_226], %swap3A_229 {strides = array<i32>} : memref<512xi32, #tpu.memory_space<vmem>>, vector<16xi32>,
    %get3A_230 = arith.constant 368 : index
    %get3A_231 = tpu.vector_load %arg5[%get3A_230] {strides = array<i32>} : memref<512xi32, #tpu.memory_space<vmem>>, vector<16xi32>,
    %get3A_232 = vector.shape_cast %get3A_231 : vector<16xi32> to vector<16xi32>
    %shift_right_arithmetic3A_233 = arith.constant 1 : i32
    %shift_right_arithmetic3A_234 = vector.broadcast %shift_right_arithmetic3A_233 : i32 to vector<16xi32>
    %shift_right_arithmetic3A_235 = arith.shrsi %get3A_232, %shift_right_arithmetic3A_234 : vector<16xi32>
    %swap3A_236 = arith.constant 368 : index
    %swap3A_237 = tpu.vector_load %arg6[%swap3A_236] {strides = array<i32>} : memref<512xi32, #tpu.memory_space<vmem>>, vector<16xi32>,
    %swap3A_238 = vector.shape_cast %swap3A_237 : vector<16xi32> to vector<16xi32>
    %swap3A_239 = vector.shape_cast %shift_right_arithmetic3A_235 : vector<16xi32> to vector<16xi32>
    tpu.vector_store %arg6[%swap3A_236], %swap3A_239 {strides = array<i32>} : memref<512xi32, #tpu.memory_space<vmem>>, vector<16xi32>,
    %get3A_240 = arith.constant 384 : index
    %get3A_241 = tpu.vector_load %arg5[%get3A_240] {strides = array<i32>} : memref<512xi32, #tpu.memory_space<vmem>>, vector<16xi32>,
    %get3A_242 = vector.shape_cast %get3A_241 : vector<16xi32> to vector<16xi32>
    %shift_right_arithmetic3A_243 = arith.constant 1 : i32
    %shift_right_arithmetic3A_244 = vector.broadcast %shift_right_arithmetic3A_243 : i32 to vector<16xi32>
    %shift_right_arithmetic3A_245 = arith.shrsi %get3A_242, %shift_right_arithmetic3A_244 : vector<16xi32>
    %swap3A_246 = arith.constant 384 : index
    %swap3A_247 = tpu.vector_load %arg6[%swap3A_246] {strides = array<i32>} : memref<512xi32, #tpu.memory_space<vmem>>, vector<16xi32>,
    %swap3A_248 = vector.shape_cast %swap3A_247 : vector<16xi32> to vector<16xi32>
    %swap3A_249 = vector.shape_cast %shift_right_arithmetic3A_245 : vector<16xi32> to vector<16xi32>
    tpu.vector_store %arg6[%swap3A_246], %swap3A_249 {strides = array<i32>} : memref<512xi32, #tpu.memory_space<vmem>>, vector<16xi32>,
    %get3A_250 = arith.constant 400 : index
    %get3A_251 = tpu.vector_load %arg5[%get3A_250] {strides = array<i32>} : memref<512xi32, #tpu.memory_space<vmem>>, vector<16xi32>,
    %get3A_252 = vector.shape_cast %get3A_251 : vector<16xi32> to vector<16xi32>
    %shift_right_arithmetic3A_253 = arith.constant 1 : i32
    %shift_right_arithmetic3A_254 = vector.broadcast %shift_right_arithmetic3A_253 : i32 to vector<16xi32>
    %shift_right_arithmetic3A_255 = arith.shrsi %get3A_252, %shift_right_arithmetic3A_254 : vector<16xi32>
    %swap3A_256 = arith.constant 400 : index
    %swap3A_257 = tpu.vector_load %arg6[%swap3A_256] {strides = array<i32>} : memref<512xi32, #tpu.memory_space<vmem>>, vector<16xi32>,
    %swap3A_258 = vector.shape_cast %swap3A_257 : vector<16xi32> to vector<16xi32>
    %swap3A_259 = vector.shape_cast %shift_right_arithmetic3A_255 : vector<16xi32> to vector<16xi32>
    tpu.vector_store %arg6[%swap3A_256], %swap3A_259 {strides = array<i32>} : memref<512xi32, #tpu.memory_space<vmem>>, vector<16xi32>,
    %get3A_260 = arith.constant 416 : index
    %get3A_261 = tpu.vector_load %arg5[%get3A_260] {strides = array<i32>} : memref<512xi32, #tpu.memory_space<vmem>>, vector<16xi32>,
    %get3A_262 = vector.shape_cast %get3A_261 : vector<16xi32> to vector<16xi32>
    %shift_right_arithmetic3A_263 = arith.constant 1 : i32
    %shift_right_arithmetic3A_264 = vector.broadcast %shift_right_arithmetic3A_263 : i32 to vector<16xi32>
    %shift_right_arithmetic3A_265 = arith.shrsi %get3A_262, %shift_right_arithmetic3A_264 : vector<16xi32>
    %swap3A_266 = arith.constant 416 : index
    %swap3A_267 = tpu.vector_load %arg6[%swap3A_266] {strides = array<i32>} : memref<512xi32, #tpu.memory_space<vmem>>, vector<16xi32>,
    %swap3A_268 = vector.shape_cast %swap3A_267 : vector<16xi32> to vector<16xi32>
    %swap3A_269 = vector.shape_cast %shift_right_arithmetic3A_265 : vector<16xi32> to vector<16xi32>
    tpu.vector_store %arg6[%swap3A_266], %swap3A_269 {strides = array<i32>} : memref<512xi32, #tpu.memory_space<vmem>>, vector<16xi32>,
    %get3A_270 = arith.constant 432 : index
    %get3A_271 = tpu.vector_load %arg5[%get3A_270] {strides = array<i32>} : memref<512xi32, #tpu.memory_space<vmem>>, vector<16xi32>,
    %get3A_272 = vector.shape_cast %get3A_271 : vector<16xi32> to vector<16xi32>
    %shift_right_arithmetic3A_273 = arith.constant 1 : i32
    %shift_right_arithmetic3A_274 = vector.broadcast %shift_right_arithmetic3A_273 : i32 to vector<16xi32>
    %shift_right_arithmetic3A_275 = arith.shrsi %get3A_272, %shift_right_arithmetic3A_274 : vector<16xi32>
    %swap3A_276 = arith.constant 432 : index
    %swap3A_277 = tpu.vector_load %arg6[%swap3A_276] {strides = array<i32>} : memref<512xi32, #tpu.memory_space<vmem>>, vector<16xi32>,
    %swap3A_278 = vector.shape_cast %swap3A_277 : vector<16xi32> to vector<16xi32>
    %swap3A_279 = vector.shape_cast %shift_right_arithmetic3A_275 : vector<16xi32> to vector<16xi32>
    tpu.vector_store %arg6[%swap3A_276], %swap3A_279 {strides = array<i32>} : memref<512xi32, #tpu.memory_space<vmem>>, vector<16xi32>,
    %get3A_280 = arith.constant 448 : index
    %get3A_281 = tpu.vector_load %arg5[%get3A_280] {strides = array<i32>} : memref<512xi32, #tpu.memory_space<vmem>>, vector<16xi32>,
    %get3A_282 = vector.shape_cast %get3A_281 : vector<16xi32> to vector<16xi32>
    %shift_right_arithmetic3A_283 = arith.constant 1 : i32
    %shift_right_arithmetic3A_284 = vector.broadcast %shift_right_arithmetic3A_283 : i32 to vector<16xi32>
    %shift_right_arithmetic3A_285 = arith.shrsi %get3A_282, %shift_right_arithmetic3A_284 : vector<16xi32>
    %swap3A_286 = arith.constant 448 : index
    %swap3A_287 = tpu.vector_load %arg6[%swap3A_286] {strides = array<i32>} : memref<512xi32, #tpu.memory_space<vmem>>, vector<16xi32>,
    %swap3A_288 = vector.shape_cast %swap3A_287 : vector<16xi32> to vector<16xi32>
    %swap3A_289 = vector.shape_cast %shift_right_arithmetic3A_285 : vector<16xi32> to vector<16xi32>
    tpu.vector_store %arg6[%swap3A_286], %swap3A_289 {strides = array<i32>} : memref<512xi32, #tpu.memory_space<vmem>>, vector<16xi32>,
    %get3A_290 = arith.constant 464 : index
    %get3A_291 = tpu.vector_load %arg5[%get3A_290] {strides = array<i32>} : memref<512xi32, #tpu.memory_space<vmem>>, vector<16xi32>,
    %get3A_292 = vector.shape_cast %get3A_291 : vector<16xi32> to vector<16xi32>
    %shift_right_arithmetic3A_293 = arith.constant 1 : i32
    %shift_right_arithmetic3A_294 = vector.broadcast %shift_right_arithmetic3A_293 : i32 to vector<16xi32>
    %shift_right_arithmetic3A_295 = arith.shrsi %get3A_292, %shift_right_arithmetic3A_294 : vector<16xi32>
    %swap3A_296 = arith.constant 464 : index
    %swap3A_297 = tpu.vector_load %arg6[%swap3A_296] {strides = array<i32>} : memref<512xi32, #tpu.memory_space<vmem>>, vector<16xi32>,
    %swap3A_298 = vector.shape_cast %swap3A_297 : vector<16xi32> to vector<16xi32>
    %swap3A_299 = vector.shape_cast %shift_right_arithmetic3A_295 : vector<16xi32> to vector<16xi32>
    tpu.vector_store %arg6[%swap3A_296], %swap3A_299 {strides = array<i32>} : memref<512xi32, #tpu.memory_space<vmem>>, vector<16xi32>,
    %get3A_300 = arith.constant 480 : index
    %get3A_301 = tpu.vector_load %arg5[%get3A_300] {strides = array<i32>} : memref<512xi32, #tpu.memory_space<vmem>>, vector<16xi32>,
    %get3A_302 = vector.shape_cast %get3A_301 : vector<16xi32> to vector<16xi32>
    %shift_right_arithmetic3A_303 = arith.constant 1 : i32
    %shift_right_arithmetic3A_304 = vector.broadcast %shift_right_arithmetic3A_303 : i32 to vector<16xi32>
    %shift_right_arithmetic3A_305 = arith.shrsi %get3A_302, %shift_right_arithmetic3A_304 : vector<16xi32>
    %swap3A_306 = arith.constant 480 : index
    %swap3A_307 = tpu.vector_load %arg6[%swap3A_306] {strides = array<i32>} : memref<512xi32, #tpu.memory_space<vmem>>, vector<16xi32>,
    %swap3A_308 = vector.shape_cast %swap3A_307 : vector<16xi32> to vector<16xi32>
    %swap3A_309 = vector.shape_cast %shift_right_arithmetic3A_305 : vector<16xi32> to vector<16xi32>
    tpu.vector_store %arg6[%swap3A_306], %swap3A_309 {strides = array<i32>} : memref<512xi32, #tpu.memory_space<vmem>>, vector<16xi32>,
    %get3A_310 = arith.constant 496 : index
    %get3A_311 = tpu.vector_load %arg5[%get3A_310] {strides = array<i32>} : memref<512xi32, #tpu.memory_space<vmem>>, vector<16xi32>,
    %get3A_312 = vector.shape_cast %get3A_311 : vector<16xi32> to vector<16xi32>
    %shift_right_arithmetic3A_313 = arith.constant 1 : i32
    %shift_right_arithmetic3A_314 = vector.broadcast %shift_right_arithmetic3A_313 : i32 to vector<16xi32>
    %shift_right_arithmetic3A_315 = arith.shrsi %get3A_312, %shift_right_arithmetic3A_314 : vector<16xi32>
    %swap3A_316 = arith.constant 496 : index
    %swap3A_317 = tpu.vector_load %arg6[%swap3A_316] {strides = array<i32>} : memref<512xi32, #tpu.memory_space<vmem>>, vector<16xi32>,
    %swap3A_318 = vector.shape_cast %swap3A_317 : vector<16xi32> to vector<16xi32>
    %swap3A_319 = vector.shape_cast %shift_right_arithmetic3A_315 : vector<16xi32> to vector<16xi32>
    tpu.vector_store %arg6[%swap3A_316], %swap3A_319 {strides = array<i32>} : memref<512xi32, #tpu.memory_space<vmem>>, vector<16xi32>,
    %dma_start3A = arith.constant 0 : i32
    %dma_start3A_320 = arith.constant 0 : i32
    %dma_start3A_321 = tpu.memref_slice %arg7[%dma_start3A, %dma_start3A_320] : memref<512x128xf32, #tpu.memory_space<vmem>> -> memref<128x128xf32, #tpu.memory_space<vmem>>
    %dma_start3A_322 = arith.constant 0 : i32
    %dma_start3A_323 = tpu.memref_slice %arg6[%dma_start3A_322] : memref<512xi32, #tpu.memory_space<vmem>> -> memref<128xi32, #tpu.memory_space<vmem>>
    %dma_start3A_324 = arith.constant 0 : i32
    %dma_start3A_325 = arith.constant 0 : i32
    %dma_start3A_326 = tpu.memref_slice %arg3[%dma_start3A_324, %dma_start3A_325] : memref<500000x128xf32, #tpu.memory_space<hbm>> -> memref<500000x128xf32, #tpu.memory_space<hbm>>
    tpu.enqueue_indirect_dma source(%dma_start3A_326 : memref<500000x128xf32, #tpu.memory_space<hbm>>) target(%dma_start3A_321 : memref<128x128xf32, #tpu.memory_space<vmem>>) offsets(%dma_start3A_323 : memref<128xi32, #tpu.memory_space<vmem>>) semaphore(%arg8 : memref<!tpu.dma_semaphore, #tpu.memory_space<semaphore_mem>>)
    %dma_start3A_327 = arith.constant 128 : i32
    %dma_start3A_328 = arith.constant 0 : i32
    %dma_start3A_329 = tpu.memref_slice %arg7[%dma_start3A_327, %dma_start3A_328] : memref<512x128xf32, #tpu.memory_space<vmem>> -> memref<128x128xf32, #tpu.memory_space<vmem>>
    %dma_start3A_330 = arith.constant 128 : i32
    %dma_start3A_331 = tpu.memref_slice %arg6[%dma_start3A_330] : memref<512xi32, #tpu.memory_space<vmem>> -> memref<128xi32, #tpu.memory_space<vmem>>
    %dma_start3A_332 = arith.constant 0 : i32
    %dma_start3A_333 = arith.constant 0 : i32
    %dma_start3A_334 = tpu.memref_slice %arg3[%dma_start3A_332, %dma_start3A_333] : memref<500000x128xf32, #tpu.memory_space<hbm>> -> memref<500000x128xf32, #tpu.memory_space<hbm>>
    tpu.enqueue_indirect_dma source(%dma_start3A_334 : memref<500000x128xf32, #tpu.memory_space<hbm>>) target(%dma_start3A_329 : memref<128x128xf32, #tpu.memory_space<vmem>>) offsets(%dma_start3A_331 : memref<128xi32, #tpu.memory_space<vmem>>) semaphore(%arg8 : memref<!tpu.dma_semaphore, #tpu.memory_space<semaphore_mem>>)
    %dma_start3A_335 = arith.constant 256 : i32
    %dma_start3A_336 = arith.constant 0 : i32
    %dma_start3A_337 = tpu.memref_slice %arg7[%dma_start3A_335, %dma_start3A_336] : memref<512x128xf32, #tpu.memory_space<vmem>> -> memref<128x128xf32, #tpu.memory_space<vmem>>
    %dma_start3A_338 = arith.constant 256 : i32
    %dma_start3A_339 = tpu.memref_slice %arg6[%dma_start3A_338] : memref<512xi32, #tpu.memory_space<vmem>> -> memref<128xi32, #tpu.memory_space<vmem>>
    %dma_start3A_340 = arith.constant 0 : i32
    %dma_start3A_341 = arith.constant 0 : i32
    %dma_start3A_342 = tpu.memref_slice %arg3[%dma_start3A_340, %dma_start3A_341] : memref<500000x128xf32, #tpu.memory_space<hbm>> -> memref<500000x128xf32, #tpu.memory_space<hbm>>
    tpu.enqueue_indirect_dma source(%dma_start3A_342 : memref<500000x128xf32, #tpu.memory_space<hbm>>) target(%dma_start3A_337 : memref<128x128xf32, #tpu.memory_space<vmem>>) offsets(%dma_start3A_339 : memref<128xi32, #tpu.memory_space<vmem>>) semaphore(%arg8 : memref<!tpu.dma_semaphore, #tpu.memory_space<semaphore_mem>>)
    %dma_start3A_343 = arith.constant 384 : i32
    %dma_start3A_344 = arith.constant 0 : i32
    %dma_start3A_345 = tpu.memref_slice %arg7[%dma_start3A_343, %dma_start3A_344] : memref<512x128xf32, #tpu.memory_space<vmem>> -> memref<128x128xf32, #tpu.memory_space<vmem>>
    %dma_start3A_346 = arith.constant 384 : i32
    %dma_start3A_347 = tpu.memref_slice %arg6[%dma_start3A_346] : memref<512xi32, #tpu.memory_space<vmem>> -> memref<128xi32, #tpu.memory_space<vmem>>
    %dma_start3A_348 = arith.constant 0 : i32
    %dma_start3A_349 = arith.constant 0 : i32
    %dma_start3A_350 = tpu.memref_slice %arg3[%dma_start3A_348, %dma_start3A_349] : memref<500000x128xf32, #tpu.memory_space<hbm>> -> memref<500000x128xf32, #tpu.memory_space<hbm>>
    tpu.enqueue_indirect_dma source(%dma_start3A_350 : memref<500000x128xf32, #tpu.memory_space<hbm>>) target(%dma_start3A_345 : memref<128x128xf32, #tpu.memory_space<vmem>>) offsets(%dma_start3A_347 : memref<128xi32, #tpu.memory_space<vmem>>) semaphore(%arg8 : memref<!tpu.dma_semaphore, #tpu.memory_space<semaphore_mem>>)
    %dma_wait3A = arith.constant 0 : i32
    %dma_wait3A_351 = arith.constant 0 : i32
    %dma_wait3A_352 = tpu.memref_slice %arg7[%dma_wait3A, %dma_wait3A_351] : memref<512x128xf32, #tpu.memory_space<vmem>> -> memref<128x128xf32, #tpu.memory_space<vmem>>
    %dma_wait3A_353 = arith.constant 0 : i32
    %dma_wait3A_354 = tpu.memref_slice %arg6[%dma_wait3A_353] : memref<512xi32, #tpu.memory_space<vmem>> -> memref<128xi32, #tpu.memory_space<vmem>>
    %dma_wait3A_355 = arith.constant 0 : i32
    %dma_wait3A_356 = arith.constant 0 : i32
    %dma_wait3A_357 = tpu.memref_slice %arg3[%dma_wait3A_355, %dma_wait3A_356] : memref<500000x128xf32, #tpu.memory_space<hbm>> -> memref<500000x128xf32, #tpu.memory_space<hbm>>
    tpu.wait_indirect_dma semaphore(%arg8 : memref<!tpu.dma_semaphore, #tpu.memory_space<semaphore_mem>>) src(%dma_wait3A_357 : memref<500000x128xf32, #tpu.memory_space<hbm>>) dst(%dma_wait3A_352 : memref<128x128xf32, #tpu.memory_space<vmem>>)
    %dma_wait3A_358 = arith.constant 128 : i32
    %dma_wait3A_359 = arith.constant 0 : i32
    %dma_wait3A_360 = tpu.memref_slice %arg7[%dma_wait3A_358, %dma_wait3A_359] : memref<512x128xf32, #tpu.memory_space<vmem>> -> memref<128x128xf32, #tpu.memory_space<vmem>>
    %dma_wait3A_361 = arith.constant 128 : i32
    %dma_wait3A_362 = tpu.memref_slice %arg6[%dma_wait3A_361] : memref<512xi32, #tpu.memory_space<vmem>> -> memref<128xi32, #tpu.memory_space<vmem>>
    %dma_wait3A_363 = arith.constant 0 : i32
    %dma_wait3A_364 = arith.constant 0 : i32
    %dma_wait3A_365 = tpu.memref_slice %arg3[%dma_wait3A_363, %dma_wait3A_364] : memref<500000x128xf32, #tpu.memory_space<hbm>> -> memref<500000x128xf32, #tpu.memory_space<hbm>>
    tpu.wait_indirect_dma semaphore(%arg8 : memref<!tpu.dma_semaphore, #tpu.memory_space<semaphore_mem>>) src(%dma_wait3A_365 : memref<500000x128xf32, #tpu.memory_space<hbm>>) dst(%dma_wait3A_360 : memref<128x128xf32, #tpu.memory_space<vmem>>)
    %dma_wait3A_366 = arith.constant 256 : i32
    %dma_wait3A_367 = arith.constant 0 : i32
    %dma_wait3A_368 = tpu.memref_slice %arg7[%dma_wait3A_366, %dma_wait3A_367] : memref<512x128xf32, #tpu.memory_space<vmem>> -> memref<128x128xf32, #tpu.memory_space<vmem>>
    %dma_wait3A_369 = arith.constant 256 : i32
    %dma_wait3A_370 = tpu.memref_slice %arg6[%dma_wait3A_369] : memref<512xi32, #tpu.memory_space<vmem>> -> memref<128xi32, #tpu.memory_space<vmem>>
    %dma_wait3A_371 = arith.constant 0 : i32
    %dma_wait3A_372 = arith.constant 0 : i32
    %dma_wait3A_373 = tpu.memref_slice %arg3[%dma_wait3A_371, %dma_wait3A_372] : memref<500000x128xf32, #tpu.memory_space<hbm>> -> memref<500000x128xf32, #tpu.memory_space<hbm>>
    tpu.wait_indirect_dma semaphore(%arg8 : memref<!tpu.dma_semaphore, #tpu.memory_space<semaphore_mem>>) src(%dma_wait3A_373 : memref<500000x128xf32, #tpu.memory_space<hbm>>) dst(%dma_wait3A_368 : memref<128x128xf32, #tpu.memory_space<vmem>>)
    %dma_wait3A_374 = arith.constant 384 : i32
    %dma_wait3A_375 = arith.constant 0 : i32
    %dma_wait3A_376 = tpu.memref_slice %arg7[%dma_wait3A_374, %dma_wait3A_375] : memref<512x128xf32, #tpu.memory_space<vmem>> -> memref<128x128xf32, #tpu.memory_space<vmem>>
    %dma_wait3A_377 = arith.constant 384 : i32
    %dma_wait3A_378 = tpu.memref_slice %arg6[%dma_wait3A_377] : memref<512xi32, #tpu.memory_space<vmem>> -> memref<128xi32, #tpu.memory_space<vmem>>
    %dma_wait3A_379 = arith.constant 0 : i32
    %dma_wait3A_380 = arith.constant 0 : i32
    %dma_wait3A_381 = tpu.memref_slice %arg3[%dma_wait3A_379, %dma_wait3A_380] : memref<500000x128xf32, #tpu.memory_space<hbm>> -> memref<500000x128xf32, #tpu.memory_space<hbm>>
    tpu.wait_indirect_dma semaphore(%arg8 : memref<!tpu.dma_semaphore, #tpu.memory_space<semaphore_mem>>) src(%dma_wait3A_381 : memref<500000x128xf32, #tpu.memory_space<hbm>>) dst(%dma_wait3A_376 : memref<128x128xf32, #tpu.memory_space<vmem>>)
    "tpu.region"() ({
      %run_scoped3A = tpu.sem_alloc : memref<!tpu.dma_semaphore, #tpu.memory_space<semaphore_mem>>
      %dma_start3A_382 = arith.constant 0 : i32
      %dma_start3A_383 = arith.constant 0 : i32
      %dma_start3A_384 = tpu.memref_slice %arg7[%dma_start3A_382, %dma_start3A_383] : memref<512x128xf32, #tpu.memory_space<vmem>> -> memref<512x64xf32, #tpu.memory_space<vmem>>
      %dma_start3A_385 = arith.constant 0 : i32
      %dma_start3A_386 = tpu.memref_slice %arg4[%mul3A_2, %dma_start3A_385] : memref<16384x64xf32, #tpu.memory_space<hbm>> -> memref<512x64xf32, #tpu.memory_space<hbm>>
      %dma_start3A_387 = arith.constant 0 : i32
      %dma_start3A_388 = tpu.memref_slice %arg4[%mul3A_2, %dma_start3A_387] : memref<16384x64xf32, #tpu.memory_space<hbm>> -> memref<512x64xf32, #tpu.memory_space<hbm>>
      %dma_start3A_389 = arith.constant 0 : i32
      %dma_start3A_390 = arith.constant 0 : i32
      %dma_start3A_391 = tpu.memref_slice %arg7[%dma_start3A_389, %dma_start3A_390] : memref<512x128xf32, #tpu.memory_space<vmem>> -> memref<512x64xf32, #tpu.memory_space<vmem>>
      tpu.enqueue_dma source(%dma_start3A_391 : memref<512x64xf32, #tpu.memory_space<vmem>>) target(%dma_start3A_388 : memref<512x64xf32, #tpu.memory_space<hbm>>) target_semaphore(%run_scoped3A : memref<!tpu.dma_semaphore, #tpu.memory_space<semaphore_mem>>)
      %dma_wait3A_392 = arith.constant 0 : i32
      %dma_wait3A_393 = arith.constant 0 : i32
      %dma_wait3A_394 = tpu.memref_slice %arg7[%dma_wait3A_392, %dma_wait3A_393] : memref<512x128xf32, #tpu.memory_space<vmem>> -> memref<512x64xf32, #tpu.memory_space<vmem>>
      %dma_wait3A_395 = arith.constant 0 : i32
      %dma_wait3A_396 = tpu.memref_slice %arg4[%mul3A_2, %dma_wait3A_395] : memref<16384x64xf32, #tpu.memory_space<hbm>> -> memref<512x64xf32, #tpu.memory_space<hbm>>
      %dma_wait3A_397 = arith.constant 0 : i32
      %dma_wait3A_398 = tpu.memref_slice %arg4[%mul3A_2, %dma_wait3A_397] : memref<16384x64xf32, #tpu.memory_space<hbm>> -> memref<512x64xf32, #tpu.memory_space<hbm>>
      %dma_wait3A_399 = arith.constant 0 : i32
      %dma_wait3A_400 = arith.constant 0 : i32
      %dma_wait3A_401 = tpu.memref_slice %arg7[%dma_wait3A_399, %dma_wait3A_400] : memref<512x128xf32, #tpu.memory_space<vmem>> -> memref<512x64xf32, #tpu.memory_space<vmem>>
      tpu.wait_dma2 semaphore(%run_scoped3A : memref<!tpu.dma_semaphore, #tpu.memory_space<semaphore_mem>>) src(%dma_wait3A_401 : memref<512x64xf32, #tpu.memory_space<vmem>>) dst(%dma_wait3A_398 : memref<512x64xf32, #tpu.memory_space<hbm>>)
      tpu.yield
    }) : () -> ()
    return
  }
}

</mosaic_0001>

<sc_bundles>
// kernel: kernel.3.cloned.1.call-start
scs
__scs_entry_jumppad:
0x0: {  	(pc) =	sbr.rel $0x88, $3  }
0x1: {  	(tag) =	ssettag $0x0;
	lr =	simm.s32 $0x1  }
0x2: {  	[smem:$0x3F9F] =	sst lr;
	_ =	strace $0xD0000000  }
0x3: {  	_ = 	snop  }
0x4: {  	_ = 	snop  }
0x5: {  	_ = 	snop  }
0x6: {  	_ = 	snop  }
0x7: {  	_ = 	snop  }
__scs_overlays_trampoline_lowered:
0x8: {  	[smem:$0x3FAE] =	sst s0  }
0x9: {  	[smem:$0x3FAF] =	sst s1  }
0xa: {  	[smem:$0x3FB0] =	sst s2  }
0xb: {  	[smem:$0x3FB1] =	sst s3  }
0xc: {  	[smem:$0x3FB2] =	sst s4  }
0xd: {  	[smem:$0x3FB3] =	sst s5  }
0xe: {  	[smem:$0x3FB4] =	sst s6  }
0xf: {  	[smem:$0x3FB5] =	sst s7  }
0x10: {  	[smem:$0x3FB6] =	sst s8  }
0x11: {  	[smem:$0x3FB7] =	sst s9;
	s0 =	simm.s32 @!p0 $0x0  }
0x12: {  	s1 =	sld [smem:$0x3F9D];
	s0 =	simm.s32 @p0 $0x1  }
0x13: {  	[smem:$0x3FB8] =	sst s0;
	s0 =	simm.s32 @!p1 $0x0  }
0x14: {  	s2 =	sld [smem:$0x3F9C];
	s0 =	simm.s32 @p1 $0x1  }
0x15: {  	[smem:$0x3FB9] =	sst s0;
	s0 =	simm.s32 @!p2 $0x0  }
0x16: {  	s3 =	sld [smem:$0x3FDB];
	s0 =	simm.s32 @p2 $0x1  }
0x17: {  	s4 =	simm.s32 $0x1BF5;
	[smem:$0x3FBB] =	sst s0  }
0x18: {  	s0 =	sld [smem:$0x3F9E];
	_ =	swait.ge [sflag:s4], $0x0  }
0x19: {  	s7 =	sld [smem:$0x3F9F]  }
0x1a: {  	s8 =	sadd.s32 $0xFFFFE003, lr  }
0x1b: {  	s9 =	sadd.s32 $0xFFFFFEF7, lr;
	s5 =	simm.s32 $0xFFFFFFFF;
	p2 =	slt.u32 s8, $0xFFFFF086  }
0x1c: {  	p1 =	slt.u32 s9, $0xF7A;
	s5 =	simm.s32 @!p2 $0x0  }
0x1d: {  	s5 =	simm.s32 @p1 $0x1;
	p0 =	seq.s32 s7, s2  }
0x1e: {  	s7 =	smul.u32 @!p0 $0xF7A, s2;
	p2 =	seq.s32 @!p0 s5, $0x0  }
0x1f: {  	s9 =	smul.u32 $0xF7A, s1;
	s8 =	simm.s32 @!p0 $0x1BF5;
	p2 =	por !p2, p0  }
0x20: {  	[sflag:s8] =	ssyncset.s32 @!p0 $0xFFFFF086;
	s6 =	sadd.s32 @!p0 s3, s7;
	s7 =	simm.s32 @!p0 $0x108  }
0x21: {  	s3 =	sadd.s32 s3, s9;
	s6 =	sadd.s32 @!p0 $0x88, s6;
	s7 =	simm.s32 @p2 $0x1082  }
0x22: {  	[simem:s7], [sflag:s8] =	dma.local @!p0 [hbm:s6], $0xF7A  }
0x23: {  	s9 =	sor.u32 $0xD0000000, s2;
	s6 =	simm.s32 $0x108;
	_ =	swait.ge @!p0 [sflag:s8], $0x0  }
0x24: {  	s3 =	sadd.s32 $0x88, s3;
	s6 =	simm.s32 @!p1 $0x1082;
	[sflag:s4] =	ssyncset.s32 $0xFFFFF086  }
0x25: {  	[simem:s6], [sflag:s4] =	dma.local [hbm:s3], $0xF7A  }
0x26: {  	[smem:$0x3F9F] =	sst s1;
	(tag) =	ssettag s2;
	_ =	strace s9  }
0x27: {  	s1 =	sld [smem:$0x3FAF]  }
0x28: {  	s2 =	sld [smem:$0x3FB0]  }
0x29: {  	s4 =	sld [smem:$0x3FB2]  }
0x2a: {  	p0 =	seq.s32 s5, $0x0;
	s5 =	sld [smem:$0x3FB3]  }
0x2b: {  	s6 =	sld [smem:$0x3FB4]  }
0x2c: {  	s7 =	sld [smem:$0x3FB5]  }
0x2d: {  	s3 =	simm.s32 $0x108;
	s8 =	sld [smem:$0x3FB6]  }
0x2e: {  	s3 =	simm.s32 @!p0 $0x1082;
	s9 =	sld [smem:$0x3FB7]  }
0x2f: {  	lr =	sadd.s32 s0, s3;
	s0 =	sld [smem:$0x3FAE]  }
0x30: {  	s3 =	sld [smem:$0x3FB1]  }
0x31: {  	[smem:$0x3FBA] =	sst s10  }
0x32: {  	s10 =	sld [smem:$0x3FB8];
	_ =	sdelay $0x3  }
0x33: {  	p0 =	seq.s32 s10, $0x1;
	s10 =	sld [smem:$0x3FBA];
	_ =	sdelay $0x3  }
0x34: {  	[smem:$0x3FBA] =	sst s10  }
0x35: {  	s10 =	sld [smem:$0x3FB9];
	_ =	sdelay $0x3  }
0x36: {  	p1 =	seq.s32 s10, $0x1;
	s10 =	sld [smem:$0x3FBA];
	_ =	sdelay $0x3  }
0x37: {  	[smem:$0x3FBA] =	sst s10  }
0x38: {  	s10 =	sld [smem:$0x3FBB]  }
0x39: {  	_ = 	snop;
	(pc) =	sbr.ind lr, $3  }
0x3a: {  	_ = 	snop  }
0x3b: {  	_ = 	snop  }
0x3c: {  	p2 =	seq.s32 s10, $0x1;
	s10 =	sld [smem:$0x3FBA]  }
0x3d: {  	_ =	shalt  }
0x3e: {  	_ =	shalt  }
0x3f: {  	_ =	shalt  }
0x40: {  	_ =	shalt  }
0x41: {  	_ =	shalt  }
0x42: {  	_ =	shalt  }
0x43: {  	_ =	shalt  }
0x44: {  	_ =	shalt  }
0x45: {  	_ =	shalt  }
0x46: {  	_ =	shalt  }
0x47: {  	_ =	shalt  }
0x48: {  	_ =	shalt  }
0x49: {  	_ =	shalt  }
0x4a: {  	_ =	shalt  }
0x4b: {  	_ =	shalt  }
0x4c: {  	_ =	shalt  }
0x4d: {  	_ =	shalt  }
0x4e: {  	_ =	shalt  }
0x4f: {  	_ =	shalt  }
0x50: {  	_ =	shalt  }
0x51: {  	_ =	shalt  }
0x52: {  	_ =	shalt  }
0x53: {  	_ =	shalt  }
0x54: {  	_ =	shalt  }
0x55: {  	_ =	shalt  }
0x56: {  	_ =	shalt  }
0x57: {  	_ =	shalt  }
0x58: {  	_ =	shalt  }
0x59: {  	_ =	shalt  }
0x5a: {  	_ =	shalt  }
0x5b: {  	_ =	shalt  }
0x5c: {  	_ =	shalt  }
0x5d: {  	_ =	shalt  }
0x5e: {  	_ =	shalt  }
0x5f: {  	_ =	shalt  }
0x60: {  	_ =	shalt  }
0x61: {  	_ =	shalt  }
0x62: {  	_ =	shalt  }
0x63: {  	_ =	shalt  }
0x64: {  	_ =	shalt  }
0x65: {  	_ =	shalt  }
0x66: {  	_ =	shalt  }
0x67: {  	_ =	shalt  }
0x68: {  	_ =	shalt  }
0x69: {  	_ =	shalt  }
0x6a: {  	_ =	shalt  }
0x6b: {  	_ =	shalt  }
0x6c: {  	_ =	shalt  }
0x6d: {  	_ =	shalt  }
0x6e: {  	_ =	shalt  }
0x6f: {  	_ =	shalt  }
0x70: {  	_ =	shalt  }
0x71: {  	_ =	shalt  }
0x72: {  	_ =	shalt  }
0x73: {  	_ =	shalt  }
0x74: {  	_ =	shalt  }
0x75: {  	_ =	shalt  }
0x76: {  	_ =	shalt  }
0x77: {  	_ =	shalt  }
0x78: {  	_ =	shalt  }
0x79: {  	_ =	shalt  }
0x7a: {  	_ =	shalt  }
0x7b: {  	_ =	shalt  }
0x7c: {  	_ =	shalt  }
0x7d: {  	_ =	shalt  }
0x7e: {  	_ =	shalt  }
0x7f: {  	_ =	shalt  }
0x80: {  	_ =	shalt  }
0x81: {  	_ =	shalt  }
0x82: {  	_ =	shalt  }
0x83: {  	_ =	shalt  }
0x84: {  	_ =	shalt  }
0x85: {  	_ =	shalt  }
0x86: {  	_ =	shalt  }
0x87: {  	_ =	shalt  }
.Lfunc_end0:
.L_simem_size_0:
called_computation_lowered:
.L_overlay_start_0:
0x88: {  	s2 =	sld [smem:$0x3FD9]  }
0x89: {  	s3 =	sld [smem:$0x3FFE];
	_ =	sdelay $0x1  }
0x8a: {  	s1 =	srdreg.scid  }
0x8b: {  	s0 =	sand.u32 $0x1, s1  }
0x8c: {  	s17 =	sshll.u32 s0, $0xA;
	s2 =	sadd.s32 s3, s2  }
0x8d: {  	s2 =	sadd.s32 s2, s17  }
0x8e: {  	[smem:$0x3FC6] =	sst s2  }
0x8f: {  	_ = 	snop  }
0x90: {  	s2 =	sld [smem:$0x3FC9]  }
0x91: {  	s18 =	sld [smem:$0x3FD0];
	(tm) =	ssettm $0x1  }
0x92: {  	s4 =	sld [smem:$0x3FFB];
	_ =	sdelay $0x3  }
0x93: {  	_ =	strace s4  }
0x94: {  	s4 =	sld [smem:$0x3FFC];
	_ =	sdelay $0x3  }
0x95: {  	_ =	strace s4  }
0x96: {  	s4 =	sld [smem:$0x3FFD];
	_ =	sdelay $0x3  }
0x97: {  	_ =	strace s4  }
0x98: {  	_ =	strace $0x8FFFFFFF  }
0x99: {  	s19 =	sld [smem:$0x3FDB];
	_ =	sdelay $0x1  }
0x9a: {  	s5 =	simm.s32 $_scs_section_size  }
0x9b: {  	s6 =	simm.s32 $_size__tile_overlayer_lowered;
	s7 =	simm.s32 $_tile_overlayer_lowered  }
0x9c: {  	s22 =	simm.s32 $0x1BFF;
	s21 =	sshll.u32 s7, $0x1;
	s4 =	sadd.s32 s5, s19  }
0x9d: {  	s8 =	simm.s32 $0x0;
	s20 =	sshll.u32 s6, $0x1;
	s6 =	sadd.s32 s21, s4  }
0x9e: {  	[timem:s8], [sflag:s22] =	dma.local [hbm:s6], s20  }
0x9f: {  	_ =	swait.ge [sflag:s22], s20  }
0xa0: {  	s5 =	ssub.s32 $0x0, s20;
	[sflag:s22] =	ssyncset.done $0x0  }
0xa1: {  	[sflag:s22] =	ssyncadd.s32 s5;
	_ =	sdelay $0x1  }
0xa2: {  	s23 =	simm.s32 $0x1B8B  }
0xa3: {  	_ =	swait.ge [sflag:s23], $0x1  }
0xa4: {  	[sflag:s23] =	ssyncset.done $0x0  }
0xa5: {  	s25 =	simm.s32 $0x1B8E;
	s24 =	sld [smem:$0x3FFE];
	[sflag:s23] =	ssyncadd.s32 $0xFFFFFFFF  }
0xa6: {  	s26 =	simm.s32 $execute0_lowered;
	[smem:$0x3FD2] =	sst s25  }
0xa7: {  	s6 =	sshll.u32 s26, $0x1;
	_ =	strace $0x80000046;
	[dreg:$0x1] =	wrdreg $0xFFFFFFFF  }
0xa8: {  	s28 =	simm.s32 $_size_execute0_lowered;
	s4 =	sadd.s32 s4, s6;
	[dreg:$0x0] =	wrdreg $0x0  }
0xa9: {  	s6 =	sshll.u32 s28, $0x1;
	[dreg:$0x2] =	wrdreg s4  }
0xaa: {  	[dreg:$0x3] =	wrdreg s6  }
0xab: {  	[dreg:$0x4] =	wrdreg $0xC0  }
0xac: {  	_ =	task [dreg:s8], $0x5FFFF  }
0xad: {  	[dreg:$0x1] =	wrdreg $0xFFFFFFFF  }
0xae: {  	[dreg:$0x0] =	wrdreg $0x60  }
0xaf: {  	[dreg:$0x2] =	wrdreg s2  }
0xb0: {  	[dreg:$0x3] =	wrdreg s24  }
0xb1: {  	[dreg:$0x4] =	wrdreg s18  }
0xb2: {  	[dreg:$0x5] =	wrdreg $0x9  }
0xb3: {  	_ =	task.clear_ibuf [dreg:s8], $0x6FFFF;
	_ =	strace $0x90000046  }
0xb4: {  	s29 =	simm.s32 $0x9;
	_ =	strace $0x80000048  }
0xb5: {  	_ =	swait.ge [sflag:s29], $0x1  }
0xb6: {  	[sflag:s29] =	ssyncadd.s32 $0xFFFFFFFF  }
0xb7: {  	_ =	strace $0x90000048  }
0xb8: {  	_ =	sfence  }
0xb9: {  	s30 =	sld [smem:$0x0];
	_ =	sdelay $0x2  }
0xba: {  	s31 =	sshll.u32 s1, $0xD;
	s1 =	sshrl.u32 s1, $0x2  }
0xbb: {  	s3 =	sand.u32 $0x4000, s31;
	s1 =	sadd.s32 s1, s30  }
0xbc: {  	s0 =	sor.u32 s3, s0;
	s1 =	sshll.u32 s1, $0x11  }
0xbd: {  	s0 =	sor.u32 s1, s0  }
0xbe: {  	s0 =	sadd.s32 $0x8F2B, s0  }
0xbf: {  	[sflag:s0] =	ssyncadd.remote.s32 $0x1  }
0xc0: {  	_ =	sfence.sel $0xFFFF  }
0xc1: {  	[dreg:$0x0] =	wrdreg $0xFFFFFFFF;
	(pc) =	sbr.abs _section_cstart, $3  }
0xc2: {  	[dreg:$0x1] =	wrdreg $0xFFFFFFFF  }
0xc3: {  	_ =	task.clear_ibuf [dreg:s8], $0x2FFFF;
	_ =	strace $0x9FFFFFFF  }
0xc4: {  	(tm) =	ssettm $0x7FFFFFFF  }
0xc5: {  	_ =	shalt  }
tec
execute0_lowered:
.L_overlay_start_1:
0x0: {  	(tag) =	ssettag $0x1  }
0x1: {  	s4 =	rddreg [dreg:$0x0]  }
0x2: {  	s3 =	rddreg [dreg:$0x1]  }
0x3: {  	s5 =	rddreg [dreg:$0x2]  }
0x4: {  	s0 =	rddreg [dreg:$0x3];
	s2 =	simm.s32 $0x0;
	s6 =	srdreg.scid  }
0x5: {  	s1 =	stileid.u32;
	s10 =	simm.s32 $0x280;
	s11 =	simm.s32 $0x4400  }
0x6: {  	s12 =	simm.s32 $0x300;
	s13 =	simm.s32 $0x8400;
	s14 =	simm.s32 $0x380  }
0x7: {  	s15 =	simm.s32 $0xC400;
	s16 =	simm.s32 $0x1;
	s17 =	simm.s32 $0x0  }
0x8: {  	[smem:$0x7FF] =	sst s2;
	s6 =	sand.u32 $0x1, s6;
	s7 =	sshll.u32 s1, $0xA  }
0x9: {  	s3 =	sadd.s32 $0xF42800, s3;
	s8 =	sshll.u32 s6, $0x9;
	s6 =	ssub.s32 $0x2, s6  }
0xa: {  	_ =	strace $0x80000047;
	s7 =	sor.u32 s8, s7;
	s31 =	sshrl.u32 s6, $0x1  }
0xb: {  	s8 =	simm.s32 $0x80;
	s9 =	sshrl.u32 s7, $0x3;
	s7 =	sshll.u32 s7, $0x3  }
0xc: {  	s6 =	ssub.s32 s6, s31;
	s4 =	sadd.s32 s4, s9;
	s5 =	sadd.s32 s5, s7  }
0xd: {  	s6 =	smax.u32 s6, $0x1;
	s7 =	simm.s32 $0x2;
	s9 =	simm.s32 $0x200  }
.LBB2_1:
0xe: {  	[tilespmem:s2], [sflag:$0x2] =	stream.linear.gather [hbm4b:s4+s2], $0x200, $0x38;
	[tilespmem:$0x10400] =	vst v63  }
0xf: {  	_ =	swait.ge [sflag:s7], $0x200  }
0x10: {  	[sflag:s7] =	ssyncset.done $0x0  }
0x11: {  	[sflag:s7] =	ssyncadd.s32 $0xFFFFFE00  }
0x12: {  	v0 =	vld [tilespmem:$0x0]  }
0x13: {  	v1 =	vld [tilespmem:$0x10]  }
0x14: {  	v2 =	vld [tilespmem:$0x20]  }
0x15: {  	v3 =	vld [tilespmem:$0x30]  }
0x16: {  	v4 =	vld [tilespmem:$0x40]  }
0x17: {  	v5 =	vld [tilespmem:$0x50];
	v0 =	vshra.s32 v0, $0x1  }
0x18: {  	v8 =	vld [tilespmem:$0x60];
	v7 =	vshra.s32 v1, $0x1;
	[tilespmem:$0x200] =	vst v0  }
0x19: {  	v10 =	vld [tilespmem:$0x70];
	v9 =	vshra.s32 v2, $0x1;
	[tilespmem:$0x210] =	vst v7  }
0x1a: {  	v12 =	vld [tilespmem:$0x80];
	v11 =	vshra.s32 v3, $0x1;
	[tilespmem:$0x220] =	vst v9  }
0x1b: {  	v14 =	vld [tilespmem:$0x90];
	v13 =	vshra.s32 v4, $0x1;
	[tilespmem:$0x230] =	vst v11  }
0x1c: {  	v16 =	vld [tilespmem:$0xA0];
	v15 =	vshra.s32 v5, $0x1;
	[tilespmem:$0x240] =	vst v13  }
0x1d: {  	v18 =	vld [tilespmem:$0xB0];
	v17 =	vshra.s32 v8, $0x1;
	[tilespmem:$0x250] =	vst v15  }
0x1e: {  	v20 =	vld [tilespmem:$0xC0];
	v19 =	vshra.s32 v10, $0x1;
	[tilespmem:$0x260] =	vst v17  }
0x1f: {  	v22 =	vld [tilespmem:$0xD0];
	v21 =	vshra.s32 v12, $0x1;
	[tilespmem:$0x270] =	vst v19  }
0x20: {  	v24 =	vld [tilespmem:$0xE0];
	v23 =	vshra.s32 v14, $0x1;
	[tilespmem:$0x280] =	vst v21  }
0x21: {  	v26 =	vld [tilespmem:$0xF0];
	v25 =	vshra.s32 v16, $0x1;
	[tilespmem:$0x290] =	vst v23  }
0x22: {  	v28 =	vld [tilespmem:$0x100];
	v27 =	vshra.s32 v18, $0x1;
	[tilespmem:$0x2A0] =	vst v25  }
0x23: {  	v30 =	vld [tilespmem:$0x110];
	v29 =	vshra.s32 v20, $0x1;
	[tilespmem:$0x2B0] =	vst v27  }
0x24: {  	v32 =	vld [tilespmem:$0x120];
	v31 =	vshra.s32 v22, $0x1;
	[tilespmem:$0x2C0] =	vst v29  }
0x25: {  	v34 =	vld [tilespmem:$0x130];
	v33 =	vshra.s32 v24, $0x1;
	[tilespmem:$0x2D0] =	vst v31  }
0x26: {  	v36 =	vld [tilespmem:$0x140];
	v35 =	vshra.s32 v26, $0x1;
	[tilespmem:$0x2E0] =	vst v33  }
0x27: {  	v38 =	vld [tilespmem:$0x150];
	v37 =	vshra.s32 v28, $0x1;
	[tilespmem:$0x2F0] =	vst v35  }
0x28: {  	v40 =	vld [tilespmem:$0x160];
	v39 =	vshra.s32 v30, $0x1;
	[tilespmem:$0x300] =	vst v37  }
0x29: {  	v42 =	vld [tilespmem:$0x170];
	v41 =	vshra.s32 v32, $0x1;
	[tilespmem:$0x310] =	vst v39  }
0x2a: {  	v44 =	vld [tilespmem:$0x180];
	v43 =	vshra.s32 v34, $0x1;
	[tilespmem:$0x320] =	vst v41  }
0x2b: {  	v46 =	vld [tilespmem:$0x190];
	v45 =	vshra.s32 v36, $0x1;
	[tilespmem:$0x330] =	vst v43  }
0x2c: {  	v48 =	vld [tilespmem:$0x1A0];
	v47 =	vshra.s32 v38, $0x1;
	[tilespmem:$0x340] =	vst v45  }
0x2d: {  	v50 =	vld [tilespmem:$0x1B0];
	v49 =	vshra.s32 v40, $0x1;
	[tilespmem:$0x350] =	vst v47  }
0x2e: {  	v52 =	vld [tilespmem:$0x1C0];
	v51 =	vshra.s32 v42, $0x1;
	[tilespmem:$0x360] =	vst v49  }
0x2f: {  	v54 =	vld [tilespmem:$0x1D0];
	v53 =	vshra.s32 v44, $0x1;
	[tilespmem:$0x370] =	vst v51  }
0x30: {  	v56 =	vld [tilespmem:$0x1E0];
	v55 =	vshra.s32 v46, $0x1;
	[tilespmem:$0x380] =	vst v53  }
0x31: {  	v58 =	vld [tilespmem:$0x1F0];
	v57 =	vshra.s32 v48, $0x1;
	[tilespmem:$0x390] =	vst v55  }
0x32: {  	v59 =	vshra.s32 v50, $0x1;
	[tilespmem:$0x3A0] =	vst v57  }
0x33: {  	v60 =	vshra.s32 v52, $0x1;
	[tilespmem:$0x3B0] =	vst v59  }
0x34: {  	v61 =	vshra.s32 v54, $0x1;
	[tilespmem:$0x3C0] =	vst v60  }
0x35: {  	v62 =	vshra.s32 v56, $0x1;
	[tilespmem:$0x3D0] =	vst v61  }
0x36: {  	v63 =	vshra.s32 v58, $0x1;
	[tilespmem:$0x3E0] =	vst v62  }
0x37: {  	s18 =	simm.s32 $0x400;
	[tilespmem:$0x3F0] =	vst v63  }
0x38: {  	[tilespmem:s18], [sflag:$0x1] =	stream.indirect.gather [hbm4b:s3+s8], $0x80, s9, s8, $0xb8;
	[tilespmem:$0x10400] =	vst v63  }
0x39: {  	_ = 	snop  }
0x3a: {  	[tilespmem:s11], [sflag:$0x1] =	stream.indirect.gather [hbm4b:s3+s8], $0x80, s10, s8, $0xb8;
	[tilespmem:$0x10400] =	vst v63  }
0x3b: {  	_ = 	snop  }
0x3c: {  	[tilespmem:s13], [sflag:$0x1] =	stream.indirect.gather [hbm4b:s3+s8], $0x80, s12, s8, $0xb8;
	[tilespmem:$0x10400] =	vst v63  }
0x3d: {  	_ = 	snop  }
0x3e: {  	[tilespmem:s15], [sflag:$0x1] =	stream.indirect.gather [hbm4b:s3+s8], $0x80, s14, s8, $0xb8;
	[tilespmem:$0x10400] =	vst v63  }
0x3f: {  	_ =	swait.ge [sflag:s16], $0x4000  }
0x40: {  	[sflag:s16] =	ssyncset.done $0x0  }
0x41: {  	[sflag:s16] =	ssyncadd.s32 $0xFFFFC000  }
0x42: {  	_ =	swait.ge [sflag:s16], $0x4000  }
0x43: {  	[sflag:s16] =	ssyncset.done $0x0  }
0x44: {  	[sflag:s16] =	ssyncadd.s32 $0xFFFFC000  }
0x45: {  	_ =	swait.ge [sflag:s16], $0x4000  }
0x46: {  	[sflag:s16] =	ssyncset.done $0x0  }
0x47: {  	[sflag:s16] =	ssyncadd.s32 $0xFFFFC000  }
0x48: {  	_ =	swait.ge [sflag:s16], $0x4000  }
0x49: {  	s19 =	simm.s32 $0x8;
	[sflag:s16] =	ssyncset.done $0x0  }
0x4a: {  	s21 =	sadd.s32 $0x0, s5;
	s20 =	simm.s32 $0x480;
	[sflag:s16] =	ssyncadd.s32 $0xFFFFC000  }
.LBB2_2:
0x4b: {  	[hbm4b:s21+s2] =	stream.linear.scatter [tilespmem:s18], [sflag:$0x2], $0x40, $0x38;
	[tilespmem:$0x10400] =	vst v63  }
0x4c: {  	s21 =	smov.u32 s19;
	s18 =	smov.u32 s20;
	p0 =	sne.s32 s19, $0xFF8  }
.Ltmp0:
0x4d: {  	s19 =	sadd.s32 $0x8, s19;
	(pc) =	sbr.rel @p0 .LBB2_2-.Ltmp0, $2  }
0x4e: {  	_ =	sdelay $0x2  }
0x4f: {  	s20 =	sadd.s32 $0x80, s20;
	s21 =	sadd.s32 s21, s5  }
0x50: {  	s17 =	sadd.s32 $0x1, s17  }
0x51: {  	p0 =	sne.s32 s17, s6  }
.Ltmp1:
0x52: {  	_ = 	snop;
	(pc) =	sbr.rel @p0 .LBB2_1-.Ltmp1, $4  }
0x53: {  	[hbm4b:s21+s2] =	stream.linear.scatter [tilespmem:s18], [sflag:$0x2], $0x40, $0x38;
	[tilespmem:$0x10400] =	vst v63  }
0x54: {  	_ =	swait.ge [sflag:s7], $0x8000  }
0x55: {  	[sflag:s7] =	ssyncset.done $0x0  }
0x56: {  	[sflag:s7] =	ssyncadd.s32 $0xFFFF8000  }
0x57: {  	_ =	sfence.sel $0x180000  }
0x58: {  	[bflag:$0x0] =	sbarrier.arrive $0xFFFF  }
0x59: {  	p0 =	sne.s32 s1, $0x0;
	_ =	strace $0x90000047  }
0x5a: {  	s0 =	sadd.s32 @!p0 $0x100000, s0;
	[bflag:$0x2] =	sbarrier.arrive $0xFFFF  }
0x5b: {  	[sflag:s0] =	ssyncadd.tile.s32 @!p0 $0x1;
	_ =	shalt  }
.Lfunc_end2:
_tile_overlayer_lowered:
.L_overlay_start_2:
0x5c: {  	(tag) =	ssettag $0x2  }
0x5d: {  	s0 =	rddreg [dreg:$0x0];
	s2 =	stileid.u32  }
0x5e: {  	s1 =	rddreg [dreg:$0x1];
	p0 =	sne.s32 s2, $0x0  }
0x5f: {  	s3 =	rddreg [dreg:$0x2];
	[bflag:$0x3] =	sbarrier.arrive $0xFFFF;
	s2 =	simm.s32 @!p0 $0x1C02  }
0x60: {  	[timem:s3], [sflag:s2] =	dma.local @!p0 [hbm:s0], s1  }
0x61: {  	s0 =	simm.s32 @!p0 $0x2  }
0x62: {  	_ =	swait.ge @!p0 [sflag:s0], s1  }
0x63: {  	s1 =	ssub.s32 @!p0 $0x0, s1;
	[sflag:s0] =	ssyncset.done @!p0 $0x0  }
0x64: {  	[sflag:s0] =	ssyncadd.s32 @!p0 s1  }
0x65: {  	[bflag:$0x3] =	sbarrier.arrive $0xFFFF  }
0x66: {  	_ =	shalt  }

</sc_bundles>
